<compile_context>
chip_gen: v7x
topology: tpu7x:2x2x1
jax: 0.10.2.dev20260603
libtpu: 0.0.44.dev20260713+nightly
codegen_flags: <defaults>
</compile_context>

<pallas_src>
import functools

import jax
import jax.numpy as jnp
from jax import lax
from jax.experimental import pallas as pl
from jax.experimental.pallas import tpu as pltpu
from jax.experimental.pallas import tpu_sc as plsc

_D = 64
_K = 1024
_B = 32
_R = 1024
_N = _B * _R
_NW = 32
_BW = _N // _NW


def _vq_body(xt_ref, et_ref, idx_ref, lin_ref, tab_ref, perp_ref, w_ref,
             counts_ref):
    i = pl.program_id(0)
    xt = xt_ref[0]
    et = et_ref[...]

    @pl.when(i == 0)
    def _mkw():
        r = jax.lax.broadcasted_iota(jnp.int32, (8, _K), 0)
        c = jax.lax.broadcasted_iota(jnp.int32, (8, _K), 1)
        w = jnp.where(r == 0, c >> 5,
                      jnp.where(r == 1, c & 31,
                                jnp.where(r == 2, 1, 0)))
        w_ref[...] = w.astype(jnp.float32)
        tab_ref[:, 0:_D] = et.T
        tab_ref[:, _D:128] = jnp.zeros((_K, _D), jnp.float32)

    a_sq = jnp.sum(xt * xt, axis=0, keepdims=True)
    ab = 2.0 * jax.lax.dot_general(
        et, xt, (((0,), (0,)), ((), ())),
        preferred_element_type=jnp.float32)
    ones8 = jnp.ones((_D, 8), jnp.float32)
    b_sq = jax.lax.dot_general(
        et * et, ones8, (((0,), (0,)), ((), ())),
        precision=jax.lax.Precision.HIGHEST,
        preferred_element_type=jnp.float32)[:, 0:1]
    dist = (a_sq - ab) + b_sq

    dmin = jnp.min(dist, axis=0, keepdims=True)
    eqf = (dist == dmin).astype(jnp.float32)
    mm = jax.lax.dot_general(
        w_ref[...], eqf, (((1,), (0,)), ((), ())),
        preferred_element_type=jnp.float32)
    hi = mm[0:1, :]
    lo = mm[1:2, :]
    cnt = mm[2:3, :]
    tie = jnp.max(cnt) > 1.5

    def _store_idx(row):
        t = jnp.broadcast_to(row.reshape(1, _K), (_B, _K))
        rows = jax.lax.broadcasted_iota(jnp.int32, (_B, _K), 0)
        prev = jnp.where(i == 0, jnp.zeros((_B, _K), jnp.int32), idx_ref[...])
        idx_ref[...] = jnp.where(rows == i, t, prev)
        lin_ref[...] = row.reshape(8, 128)

    _store_idx((hi * 32.0 + lo)[0, :].astype(jnp.int32))

    blk_counts = jnp.sum(eqf, axis=1, keepdims=True)

    @pl.when(i == 0)
    def _init():
        counts_ref[...] = blk_counts

    @pl.when(i > 0)
    def _acc():
        counts_ref[...] += blk_counts

    @pl.when(tie)
    def _slow():
        ids = jax.lax.broadcasted_iota(jnp.int32, (_K, _R), 0)
        idxv = jnp.min(jnp.where(dist == dmin, ids, _K), axis=0,
                       keepdims=True)
        oh = (ids == idxv).astype(jnp.float32)
        _store_idx(idxv[0, :])
        counts_ref[...] += jnp.sum(oh, axis=1, keepdims=True) - blk_counts

    @pl.when(i == _B - 1)
    def _final():
        p = counts_ref[...] * (1.0 / _N)
        ent = -jnp.sum(p * jnp.log(p + 1e-10))
        perp_ref[0, 0] = jnp.exp(ent)


@functools.cache
def _sc_gather_fn():
    mesh = plsc.VectorSubcoreMesh(core_axis_name="c", subcore_axis_name="s")

    @functools.partial(
        pl.kernel,
        out_type=jax.ShapeDtypeStruct((_N, 128), jnp.float32),
        mesh=mesh,
        scratch_types=[
            pltpu.VMEM((_BW,), jnp.int32),
            pltpu.VMEM((_BW // 2, 128), jnp.float32),
            pltpu.SemaphoreType.DMA,
        ],
    )
    def _sc_gather(tab_hbm, idx_hbm, out_hbm, idx_v, rows_v, sem):
        wid = lax.axis_index("s") * 2 + lax.axis_index("c")
        base = wid * _BW
        pltpu.sync_copy(idx_hbm.at[pl.ds(base, _BW)], idx_v)
        for h in range(2):
            pltpu.async_copy(
                tab_hbm.at[idx_v.at[pl.ds(h * (_BW // 2), _BW // 2)]],
                rows_v, sem).wait()
            pltpu.sync_copy(rows_v,
                            out_hbm.at[pl.ds(base + h * (_BW // 2), _BW // 2)])

    return _sc_gather


def kernel(inputs, embeddings):
    xt = jnp.transpose(inputs, (0, 2, 1))
    et = embeddings.T
    idx, lin, tab, perp = pl.pallas_call(
        _vq_body,
        grid=(_B,),
        in_specs=[
            pl.BlockSpec((1, _D, _R), lambda i: (i, 0, 0)),
            pl.BlockSpec((_D, _K), lambda i: (0, 0)),
        ],
        out_specs=[
            pl.BlockSpec((_B, _K), lambda i: (0, 0)),
            pl.BlockSpec((8, 128), lambda i: (i, 0)),
            pl.BlockSpec((_K, 128), lambda i: (0, 0)),
            pl.BlockSpec(memory_space=pltpu.SMEM),
        ],
        out_shape=[
            jax.ShapeDtypeStruct((_B, _K), jnp.int32),
            jax.ShapeDtypeStruct((_B * 8, 128), jnp.int32),
            jax.ShapeDtypeStruct((_K, 128), jnp.float32),
            jax.ShapeDtypeStruct((1, 1), jnp.float32),
        ],
        scratch_shapes=[
            pltpu.VMEM((8, _K), jnp.float32),
            pltpu.VMEM((_K, 1), jnp.float32),
        ],
    )(xt, et)
    q = _sc_gather_fn()(tab, lin.reshape(_N))
    quantized_st = q[:, 0:_D].reshape(inputs.shape)
    return (quantized_st, idx, perp[0, 0])

# --- scband reference (transcript-rebuilt; emitter-appended) ---
"""Pipeline reference for scband-vq-layer-28973849379183 (READ-ONLY COPY).

The authoritative reference and input builder live on the scoring server;
editing this copy changes nothing except your own understanding.
"""

import jax, jax.numpy as jnp
import numpy as np

EMBEDDING_DIM = 64
NUM_EMBEDDINGS = 1024
BETA = 0.25


def setup_inputs(seed: int = 0) -> dict:
    key = jax.random.key(seed)
    k_in, k_emb = jax.random.split(key)
    inputs = jax.random.normal(k_in, (32, 1024, EMBEDDING_DIM), dtype=jnp.float32)
    # tf.random_uniform_initializer defaults to uniform(-0.05, 0.05)
    embeddings = jax.random.uniform(k_emb, (NUM_EMBEDDINGS, EMBEDDING_DIM), dtype=jnp.float32, minval=-0.05, maxval=0.05)
    return {"inputs": inputs, "embeddings": embeddings}


def reference(inputs, embeddings):
    input_shape = inputs.shape
    flat_inputs = inputs.reshape(-1, EMBEDDING_DIM)
    a_sq = jnp.sum(flat_inputs ** 2, axis=1, keepdims=True)
    ab = 2.0 * jnp.matmul(flat_inputs, embeddings.T)
    b_sq = jnp.sum(embeddings ** 2, axis=1).reshape(1, -1)
    distances = a_sq - ab + b_sq
    encoding_indices = jnp.argmin(distances, axis=1)
    encodings = jax.nn.one_hot(encoding_indices, NUM_EMBEDDINGS, dtype=jnp.float32)
    quantized = jnp.matmul(encodings, embeddings)
    quantized = quantized.reshape(input_shape)
    # straight-through estimator
    quantized_st = inputs + jax.lax.stop_gradient(quantized - inputs)
    avg_probs = jnp.mean(encodings, axis=0)
    perplexity = jnp.exp(-jnp.sum(avg_probs * jnp.log(avg_probs + 1e-10)))
    indices_reshaped = encoding_indices.reshape(input_shape[:-1])
    return (quantized_st, indices_reshaped, perplexity)

if __name__ == "__main__":
    import jax
    _d = setup_inputs()
    print(jax.jit(kernel)(*tuple(_d.values())))

</pallas_src>

<mosaic_0001>
#map = affine_map<(d0, d1) -> (0, 0)>
#map1 = affine_map<(d0, d1) -> (0)>
module attributes {stable_mosaic.version = 14 : i64} {
  func.func @_sc_gather(%arg0: i32, %arg1: i32, %arg2: memref<1024x128xf32, #tpu.memory_space<hbm>>, %arg3: memref<32768xi32, #tpu.memory_space<hbm>>, %arg4: memref<32768x128xf32, #tpu.memory_space<hbm>>, %arg5: memref<1024xi32, #tpu.memory_space<vmem>>, %arg6: memref<512x128xf32, #tpu.memory_space<vmem>>, %arg7: memref<!tpu.dma_semaphore, #tpu.memory_space<semaphore_mem>>) attributes {dimension_semantics = [#tpu.dimension_semantics<core_parallel>, #tpu.dimension_semantics<subcore_parallel>], iteration_bounds = array<i64: 2, 16>, scalar_prefetch = 0 : i64, scratch_operands = 3 : i64, tpu.core_type = #tpu.core_type<sc_vector_subcore>, window_params = [{transform_indices = #map}, {transform_indices = #map1}, {transform_indices = #map}]} {
    %mul3A = arith.constant 2 : i32
    %mul3A_0 = arith.muli %arg1, %mul3A : i32
    %add3A = arith.addi %mul3A_0, %arg0 : i32
    %mul3A_1 = arith.constant 1024 : i32
    %mul3A_2 = arith.muli %add3A, %mul3A_1 : i32
    "tpu.region"() ({
      %run_scoped3A = tpu.sem_alloc : memref<!tpu.dma_semaphore, #tpu.memory_space<semaphore_mem>>
      %dma_start3A_25 = tpu.memref_slice %arg3[%mul3A_2] : memref<32768xi32, #tpu.memory_space<hbm>> -> memref<1024xi32, #tpu.memory_space<hbm>>
      %dma_start3A_26 = tpu.memref_slice %arg3[%mul3A_2] : memref<32768xi32, #tpu.memory_space<hbm>> -> memref<1024xi32, #tpu.memory_space<hbm>>
      tpu.enqueue_dma source(%dma_start3A_26 : memref<1024xi32, #tpu.memory_space<hbm>>) target(%arg5 : memref<1024xi32, #tpu.memory_space<vmem>>) target_semaphore(%run_scoped3A : memref<!tpu.dma_semaphore, #tpu.memory_space<semaphore_mem>>)
      %dma_wait3A_27 = tpu.memref_slice %arg3[%mul3A_2] : memref<32768xi32, #tpu.memory_space<hbm>> -> memref<1024xi32, #tpu.memory_space<hbm>>
      %dma_wait3A_28 = tpu.memref_slice %arg3[%mul3A_2] : memref<32768xi32, #tpu.memory_space<hbm>> -> memref<1024xi32, #tpu.memory_space<hbm>>
      tpu.wait_dma2 semaphore(%run_scoped3A : memref<!tpu.dma_semaphore, #tpu.memory_space<semaphore_mem>>) src(%dma_wait3A_28 : memref<1024xi32, #tpu.memory_space<hbm>>) dst(%arg5 : memref<1024xi32, #tpu.memory_space<vmem>>)
      tpu.yield
    }) : () -> ()
    %dma_start3A = arith.constant 0 : i32
    %dma_start3A_3 = tpu.memref_slice %arg5[%dma_start3A] : memref<1024xi32, #tpu.memory_space<vmem>> -> memref<512xi32, #tpu.memory_space<vmem>>
    %dma_start3A_4 = arith.constant 0 : i32
    %dma_start3A_5 = arith.constant 0 : i32
    %dma_start3A_6 = tpu.memref_slice %arg2[%dma_start3A_4, %dma_start3A_5] : memref<1024x128xf32, #tpu.memory_space<hbm>> -> memref<1024x128xf32, #tpu.memory_space<hbm>>
    tpu.enqueue_indirect_dma source(%dma_start3A_6 : memref<1024x128xf32, #tpu.memory_space<hbm>>) target(%arg6 : memref<512x128xf32, #tpu.memory_space<vmem>>) offsets(%dma_start3A_3 : memref<512xi32, #tpu.memory_space<vmem>>) semaphore(%arg7 : memref<!tpu.dma_semaphore, #tpu.memory_space<semaphore_mem>>)
    %dma_wait3A = arith.constant 0 : i32
    %dma_wait3A_7 = tpu.memref_slice %arg5[%dma_wait3A] : memref<1024xi32, #tpu.memory_space<vmem>> -> memref<512xi32, #tpu.memory_space<vmem>>
    %dma_wait3A_8 = arith.constant 0 : i32
    %dma_wait3A_9 = arith.constant 0 : i32
    %dma_wait3A_10 = tpu.memref_slice %arg2[%dma_wait3A_8, %dma_wait3A_9] : memref<1024x128xf32, #tpu.memory_space<hbm>> -> memref<1024x128xf32, #tpu.memory_space<hbm>>
    tpu.wait_indirect_dma semaphore(%arg7 : memref<!tpu.dma_semaphore, #tpu.memory_space<semaphore_mem>>) src(%dma_wait3A_10 : memref<1024x128xf32, #tpu.memory_space<hbm>>) dst(%arg6 : memref<512x128xf32, #tpu.memory_space<vmem>>)
    %add3A_11 = arith.constant 0 : i32
    %add3A_12 = arith.addi %mul3A_2, %add3A_11 : i32
    "tpu.region"() ({
      %run_scoped3A = tpu.sem_alloc : memref<!tpu.dma_semaphore, #tpu.memory_space<semaphore_mem>>
      %dma_start3A_25 = arith.constant 0 : i32
      %dma_start3A_26 = tpu.memref_slice %arg4[%add3A_12, %dma_start3A_25] : memref<32768x128xf32, #tpu.memory_space<hbm>> -> memref<512x128xf32, #tpu.memory_space<hbm>>
      %dma_start3A_27 = arith.constant 0 : i32
      %dma_start3A_28 = tpu.memref_slice %arg4[%add3A_12, %dma_start3A_27] : memref<32768x128xf32, #tpu.memory_space<hbm>> -> memref<512x128xf32, #tpu.memory_space<hbm>>
      tpu.enqueue_dma source(%arg6 : memref<512x128xf32, #tpu.memory_space<vmem>>) target(%dma_start3A_28 : memref<512x128xf32, #tpu.memory_space<hbm>>) target_semaphore(%run_scoped3A : memref<!tpu.dma_semaphore, #tpu.memory_space<semaphore_mem>>)
      %dma_wait3A_29 = arith.constant 0 : i32
      %dma_wait3A_30 = tpu.memref_slice %arg4[%add3A_12, %dma_wait3A_29] : memref<32768x128xf32, #tpu.memory_space<hbm>> -> memref<512x128xf32, #tpu.memory_space<hbm>>
      %dma_wait3A_31 = arith.constant 0 : i32
      %dma_wait3A_32 = tpu.memref_slice %arg4[%add3A_12, %dma_wait3A_31] : memref<32768x128xf32, #tpu.memory_space<hbm>> -> memref<512x128xf32, #tpu.memory_space<hbm>>
      tpu.wait_dma2 semaphore(%run_scoped3A : memref<!tpu.dma_semaphore, #tpu.memory_space<semaphore_mem>>) src(%arg6 : memref<512x128xf32, #tpu.memory_space<vmem>>) dst(%dma_wait3A_32 : memref<512x128xf32, #tpu.memory_space<hbm>>)
      tpu.yield
    }) : () -> ()
    %dma_start3A_13 = arith.constant 512 : i32
    %dma_start3A_14 = tpu.memref_slice %arg5[%dma_start3A_13] : memref<1024xi32, #tpu.memory_space<vmem>> -> memref<512xi32, #tpu.memory_space<vmem>>
    %dma_start3A_15 = arith.constant 0 : i32
    %dma_start3A_16 = arith.constant 0 : i32
    %dma_start3A_17 = tpu.memref_slice %arg2[%dma_start3A_15, %dma_start3A_16] : memref<1024x128xf32, #tpu.memory_space<hbm>> -> memref<1024x128xf32, #tpu.memory_space<hbm>>
    tpu.enqueue_indirect_dma source(%dma_start3A_17 : memref<1024x128xf32, #tpu.memory_space<hbm>>) target(%arg6 : memref<512x128xf32, #tpu.memory_space<vmem>>) offsets(%dma_start3A_14 : memref<512xi32, #tpu.memory_space<vmem>>) semaphore(%arg7 : memref<!tpu.dma_semaphore, #tpu.memory_space<semaphore_mem>>)
    %dma_wait3A_18 = arith.constant 512 : i32
    %dma_wait3A_19 = tpu.memref_slice %arg5[%dma_wait3A_18] : memref<1024xi32, #tpu.memory_space<vmem>> -> memref<512xi32, #tpu.memory_space<vmem>>
    %dma_wait3A_20 = arith.constant 0 : i32
    %dma_wait3A_21 = arith.constant 0 : i32
    %dma_wait3A_22 = tpu.memref_slice %arg2[%dma_wait3A_20, %dma_wait3A_21] : memref<1024x128xf32, #tpu.memory_space<hbm>> -> memref<1024x128xf32, #tpu.memory_space<hbm>>
    tpu.wait_indirect_dma semaphore(%arg7 : memref<!tpu.dma_semaphore, #tpu.memory_space<semaphore_mem>>) src(%dma_wait3A_22 : memref<1024x128xf32, #tpu.memory_space<hbm>>) dst(%arg6 : memref<512x128xf32, #tpu.memory_space<vmem>>)
    %add3A_23 = arith.constant 512 : i32
    %add3A_24 = arith.addi %mul3A_2, %add3A_23 : i32
    "tpu.region"() ({
      %run_scoped3A = tpu.sem_alloc : memref<!tpu.dma_semaphore, #tpu.memory_space<semaphore_mem>>
      %dma_start3A_25 = arith.constant 0 : i32
      %dma_start3A_26 = tpu.memref_slice %arg4[%add3A_24, %dma_start3A_25] : memref<32768x128xf32, #tpu.memory_space<hbm>> -> memref<512x128xf32, #tpu.memory_space<hbm>>
      %dma_start3A_27 = arith.constant 0 : i32
      %dma_start3A_28 = tpu.memref_slice %arg4[%add3A_24, %dma_start3A_27] : memref<32768x128xf32, #tpu.memory_space<hbm>> -> memref<512x128xf32, #tpu.memory_space<hbm>>
      tpu.enqueue_dma source(%arg6 : memref<512x128xf32, #tpu.memory_space<vmem>>) target(%dma_start3A_28 : memref<512x128xf32, #tpu.memory_space<hbm>>) target_semaphore(%run_scoped3A : memref<!tpu.dma_semaphore, #tpu.memory_space<semaphore_mem>>)
      %dma_wait3A_29 = arith.constant 0 : i32
      %dma_wait3A_30 = tpu.memref_slice %arg4[%add3A_24, %dma_wait3A_29] : memref<32768x128xf32, #tpu.memory_space<hbm>> -> memref<512x128xf32, #tpu.memory_space<hbm>>
      %dma_wait3A_31 = arith.constant 0 : i32
      %dma_wait3A_32 = tpu.memref_slice %arg4[%add3A_24, %dma_wait3A_31] : memref<32768x128xf32, #tpu.memory_space<hbm>> -> memref<512x128xf32, #tpu.memory_space<hbm>>
      tpu.wait_dma2 semaphore(%run_scoped3A : memref<!tpu.dma_semaphore, #tpu.memory_space<semaphore_mem>>) src(%arg6 : memref<512x128xf32, #tpu.memory_space<vmem>>) dst(%dma_wait3A_32 : memref<512x128xf32, #tpu.memory_space<hbm>>)
      tpu.yield
    }) : () -> ()
    return
  }
}

module attributes {stable_mosaic.version = 14 : i64} {
  func.func @_vq_body(%arg0: i32, %arg1: memref<1x64x1024xf32, #tpu.memory_space<vmem>>, %arg2: memref<64x1024xf32, #tpu.memory_space<vmem>>, %arg3: memref<32x1024xi32, #tpu.memory_space<vmem>>, %arg4: memref<8x128xi32, #tpu.memory_space<vmem>>, %arg5: memref<1024x128xf32, #tpu.memory_space<vmem>>, %arg6: memref<1x1xf32, #tpu.memory_space<smem>>, %arg7: memref<8x1024xf32, #tpu.memory_space<vmem>>, %arg8: memref<1024x1xf32, #tpu.memory_space<vmem>>) attributes {dimension_semantics = [#tpu.dimension_semantics<arbitrary>], iteration_bounds = array<i64: 32>, scalar_prefetch = 0 : i64, scratch_operands = 2 : i64, tpu.core_type = #tpu.core_type<tc>, window_params = [{transform_indices = @transform_0, window_bounds = array<i64: 1, 64, 1024>}, {pipeline_mode = #tpu.pipeline_mode<synchronous>, transform_indices = @transform_1, window_bounds = array<i64: 64, 1024>}, {pipeline_mode = #tpu.pipeline_mode<synchronous>, transform_indices = @transform_2, window_bounds = array<i64: 32, 1024>}, {transform_indices = @transform_3, window_bounds = array<i64: 8, 128>}, {pipeline_mode = #tpu.pipeline_mode<synchronous>, transform_indices = @transform_4, window_bounds = array<i64: 1024, 128>}, {transform_indices = @transform_5, window_bounds = array<i64: 1, 1>}]} {
    %get3A = arith.constant 0 : index
    %get3A_0 = arith.constant 0 : index
    %get3A_1 = arith.constant 0 : index
    %get3A_2 = vector.load %arg1[%get3A, %get3A_0, %get3A_1] : memref<1x64x1024xf32, #tpu.memory_space<vmem>>, vector<1x64x1024xf32>
    %get3A_3 = vector.shape_cast %get3A_2 : vector<1x64x1024xf32> to vector<64x1024xf32>
    %get3A_4 = arith.constant 0 : index
    %get3A_5 = arith.constant 0 : index
    %get3A_6 = vector.load %arg2[%get3A_4, %get3A_5] : memref<64x1024xf32, #tpu.memory_space<vmem>>, vector<64x1024xf32>
    %eq3A = arith.constant 0 : i32
    %eq3A_7 = arith.cmpi eq, %arg0, %eq3A : i32
    %convert_element_type3A = arith.extui %eq3A_7 : i1 to i32
    %cond3A = arith.constant 0 : i32
    %cond3A_8 = arith.cmpi ne, %convert_element_type3A, %cond3A : i32
    scf.if %cond3A_8 {
      %iota3A_84 = tpu.iota {dimensions = array<i32: 0>} : vector<8x1024xi32>
      %iota3A_85 = tpu.iota {dimensions = array<i32: 1>} : vector<8x1024xi32>
      %eq3A_86 = arith.constant 0 : i32
      %eq3A_87 = vector.broadcast %eq3A_86 : i32 to vector<8x1024xi32>
      %eq3A_88 = arith.cmpi eq, %iota3A_84, %eq3A_87 : vector<8x1024xi32>
      %shift_right_arithmetic3A = arith.constant 5 : i32
      %shift_right_arithmetic3A_89 = vector.broadcast %shift_right_arithmetic3A : i32 to vector<8x1024xi32>
      %shift_right_arithmetic3A_90 = arith.shrsi %iota3A_85, %shift_right_arithmetic3A_89 : vector<8x1024xi32>
      %eq3A_91 = arith.constant 1 : i32
      %eq3A_92 = vector.broadcast %eq3A_91 : i32 to vector<8x1024xi32>
      %eq3A_93 = arith.cmpi eq, %iota3A_84, %eq3A_92 : vector<8x1024xi32>
      %and3A = arith.constant 31 : i32
      %and3A_94 = vector.broadcast %and3A : i32 to vector<8x1024xi32>
      %and3A_95 = arith.andi %iota3A_85, %and3A_94 : vector<8x1024xi32>
      %eq3A_96 = arith.constant 2 : i32
      %eq3A_97 = vector.broadcast %eq3A_96 : i32 to vector<8x1024xi32>
      %eq3A_98 = arith.cmpi eq, %iota3A_84, %eq3A_97 : vector<8x1024xi32>
      %jit3A = arith.constant 1 : i32
      %jit3A_99 = arith.constant 0 : i32
      %broadcast_in_dim3A_100 = vector.broadcast %jit3A : i32 to vector<8x1024xi32>
      %broadcast_in_dim3A_101 = vector.broadcast %jit3A_99 : i32 to vector<8x1024xi32>
      %select_n3A_102 = arith.select %eq3A_98, %broadcast_in_dim3A_100, %broadcast_in_dim3A_101 : vector<8x1024xi1>, vector<8x1024xi32>
      %select_n3A_103 = arith.select %eq3A_93, %and3A_95, %select_n3A_102 : vector<8x1024xi1>, vector<8x1024xi32>
      %select_n3A_104 = arith.select %eq3A_88, %shift_right_arithmetic3A_90, %select_n3A_103 : vector<8x1024xi1>, vector<8x1024xi32>
      %convert_element_type3A_105 = arith.sitofp %select_n3A_104 : vector<8x1024xi32> to vector<8x1024xf32>
      %swap3A_106 = arith.constant 0 : index
      %swap3A_107 = arith.constant 0 : index
      %swap3A_108 = vector.load %arg7[%swap3A_106, %swap3A_107] : memref<8x1024xf32, #tpu.memory_space<vmem>>, vector<8x1024xf32>
      tpu.vector_store %arg7[%swap3A_106, %swap3A_107], %convert_element_type3A_105 {strides = array<i32>} : memref<8x1024xf32, #tpu.memory_space<vmem>>, vector<8x1024xf32>,
      %transpose3A = tpu.transpose %get3A_6, [1, 0] : vector<64x1024xf32> -> vector<1024x64xf32>
      %swap3A_109 = arith.constant 0 : index
      %swap3A_110 = arith.constant 0 : index
      %swap3A_111 = vector.load %arg5[%swap3A_109, %swap3A_110] : memref<1024x128xf32, #tpu.memory_space<vmem>>, vector<1024x64xf32>
      tpu.vector_store %arg5[%swap3A_109, %swap3A_110], %transpose3A {strides = array<i32>} : memref<1024x128xf32, #tpu.memory_space<vmem>>, vector<1024x64xf32>,
      %broadcast_in_dim3A_112 = arith.constant 0.000000e+00 : f32
      %broadcast_in_dim3A_113 = vector.broadcast %broadcast_in_dim3A_112 : f32 to vector<1024x64xf32>
      %swap3A_114 = arith.constant 0 : index
      %swap3A_115 = arith.constant 64 : index
      %swap3A_116 = vector.load %arg5[%swap3A_114, %swap3A_115] : memref<1024x128xf32, #tpu.memory_space<vmem>>, vector<1024x64xf32>
      tpu.vector_store %arg5[%swap3A_114, %swap3A_115], %broadcast_in_dim3A_113 {strides = array<i32>} : memref<1024x128xf32, #tpu.memory_space<vmem>>, vector<1024x64xf32>,
    } else {
    }
    %mul3A = arith.mulf %get3A_3, %get3A_3 : vector<64x1024xf32>
    %reduce_sum3A = arith.constant dense<0.000000e+00> : vector<1024xf32>
    %reduce_sum3A_9 = vector.multi_reduction <add>, %mul3A, %reduce_sum3A [0] : vector<64x1024xf32> to vector<1024xf32>
    %broadcast_in_dim3A = vector.shape_cast %reduce_sum3A_9 : vector<1024xf32> to vector<1x1024xf32>
    %dot_general3A = arith.constant dense<0.000000e+00> : vector<1024x1024xf32>
    %dot_general3A_10 = tpu.matmul %get3A_6, %get3A_3, %dot_general3A {dimension_numbers = #tpu.dot_dimension_numbers<[0], [0], [1], [1], [0, 1, 1, 1], [], []>, transpose_lhs_hint = false} : vector<64x1024xf32>, vector<64x1024xf32>, vector<1024x1024xf32> -> vector<1024x1024xf32>
    %mul3A_11 = arith.constant 2.000000e+00 : f32
    %mul3A_12 = vector.broadcast %mul3A_11 : f32 to vector<1024x1024xf32>
    %mul3A_13 = arith.mulf %mul3A_12, %dot_general3A_10 : vector<1024x1024xf32>
    %broadcast_in_dim3A_14 = arith.constant 1.000000e+00 : f32
    %broadcast_in_dim3A_15 = vector.broadcast %broadcast_in_dim3A_14 : f32 to vector<64x8xf32>
    %mul3A_16 = arith.mulf %get3A_6, %get3A_6 : vector<64x1024xf32>
    %dot_general3A_17 = arith.constant dense<0.000000e+00> : vector<1024x8xf32>
    %dot_general3A_18 = tpu.matmul %mul3A_16, %broadcast_in_dim3A_15, %dot_general3A_17 {dimension_numbers = #tpu.dot_dimension_numbers<[0], [0], [1], [1], [0, 1, 1, 1], [], []>, precision = #tpu.contract_precision<fp32>, transpose_lhs_hint = false} : vector<64x1024xf32>, vector<64x8xf32>, vector<1024x8xf32> -> vector<1024x8xf32>
    %slice3A = vector.extract_strided_slice %dot_general3A_18 {offsets = [0, 0], sizes = [1024, 1], strides = [1, 1]} : vector<1024x8xf32> to vector<1024x1xf32>
    %sub3A = vector.broadcast %broadcast_in_dim3A : vector<1x1024xf32> to vector<1024x1024xf32>
    %sub3A_19 = arith.subf %sub3A, %mul3A_13 : vector<1024x1024xf32>
    %add3A = vector.broadcast %slice3A : vector<1024x1xf32> to vector<1024x1024xf32>
    %add3A_20 = arith.addf %sub3A_19, %add3A : vector<1024x1024xf32>
    %reduce_min3A = arith.constant dense<0x7F800000> : vector<1024xf32>
    %reduce_min3A_21 = vector.multi_reduction <minimumf>, %add3A_20, %reduce_min3A [0] : vector<1024x1024xf32> to vector<1024xf32>
    %broadcast_in_dim3A_22 = vector.shape_cast %reduce_min3A_21 : vector<1024xf32> to vector<1x1024xf32>
    %eq3A_23 = vector.broadcast %broadcast_in_dim3A_22 : vector<1x1024xf32> to vector<1024x1024xf32>
    %eq3A_24 = arith.cmpf oeq, %add3A_20, %eq3A_23 : vector<1024x1024xf32>
    %convert_element_type3A_25 = arith.extui %eq3A_24 : vector<1024x1024xi1> to vector<1024x1024xi32>
    %convert_element_type3A_26 = arith.sitofp %convert_element_type3A_25 : vector<1024x1024xi32> to vector<1024x1024xf32>
    %get3A_27 = arith.constant 0 : index
    %get3A_28 = arith.constant 0 : index
    %get3A_29 = vector.load %arg7[%get3A_27, %get3A_28] : memref<8x1024xf32, #tpu.memory_space<vmem>>, vector<8x1024xf32>
    %dot_general3A_30 = arith.constant dense<0.000000e+00> : vector<8x1024xf32>
    %dot_general3A_31 = tpu.matmul %get3A_29, %convert_element_type3A_26, %dot_general3A_30 {dimension_numbers = #tpu.dot_dimension_numbers<[1], [0], [0], [1], [0, 0, 1, 1], [], []>, transpose_lhs_hint = false} : vector<8x1024xf32>, vector<1024x1024xf32>, vector<8x1024xf32> -> vector<8x1024xf32>
    %slice3A_32 = vector.extract_strided_slice %dot_general3A_31 {offsets = [0, 0], sizes = [1, 1024], strides = [1, 1]} : vector<8x1024xf32> to vector<1x1024xf32>
    %slice3A_33 = vector.extract_strided_slice %dot_general3A_31 {offsets = [1, 0], sizes = [1, 1024], strides = [1, 1]} : vector<8x1024xf32> to vector<1x1024xf32>
    %slice3A_34 = vector.extract_strided_slice %dot_general3A_31 {offsets = [2, 0], sizes = [1, 1024], strides = [1, 1]} : vector<8x1024xf32> to vector<1x1024xf32>
    %reduce_max3A = vector.shape_cast %slice3A_34 : vector<1x1024xf32> to vector<1x1x1024xf32>
    %reduce_max3A_35 = arith.constant dense<0xFF800000> : vector<1xf32>
    %reduce_max3A_36 = vector.multi_reduction <maximumf>, %reduce_max3A, %reduce_max3A_35 [1, 2] : vector<1x1x1024xf32> to vector<1xf32>
    %reduce_max3A_37 = vector.shape_cast %reduce_max3A_36 : vector<1xf32> to vector<1x1x1xf32>
    %reduce_max3A_38 = vector.extract %reduce_max3A_37[0, 0, 0] : f32 from vector<1x1x1xf32>
    %gt3A = arith.constant 1.500000e+00 : f32
    %gt3A_39 = arith.cmpf ogt, %reduce_max3A_38, %gt3A : f32
    %mul3A_40 = arith.constant 3.200000e+01 : f32
    %mul3A_41 = vector.broadcast %mul3A_40 : f32 to vector<1x1024xf32>
    %mul3A_42 = arith.mulf %slice3A_32, %mul3A_41 : vector<1x1024xf32>
    %add3A_43 = arith.addf %mul3A_42, %slice3A_33 : vector<1x1024xf32>
    %squeeze3A = vector.shape_cast %add3A_43 : vector<1x1024xf32> to vector<1024xf32>
    %convert_element_type3A_44 = arith.fptosi %squeeze3A : vector<1024xf32> to vector<1024xi32>
    %reshape3A = vector.shape_cast %convert_element_type3A_44 : vector<1024xi32> to vector<1x1024xi32>
    %broadcast_in_dim3A_45 = vector.shape_cast %reshape3A : vector<1x1024xi32> to vector<1x1024xi32>
    %broadcast_in_dim3A_46 = vector.broadcast %broadcast_in_dim3A_45 : vector<1x1024xi32> to vector<32x1024xi32>
    %iota3A = tpu.iota {dimensions = array<i32: 0>} : vector<32x1024xi32>
    %eq3A_47 = arith.constant 0 : i32
    %eq3A_48 = arith.cmpi eq, %arg0, %eq3A_47 : i32
    %broadcast_in_dim3A_49 = arith.constant 0 : i32
    %broadcast_in_dim3A_50 = vector.broadcast %broadcast_in_dim3A_49 : i32 to vector<32x1024xi32>
    %get3A_51 = arith.constant 0 : index
    %get3A_52 = arith.constant 0 : index
    %get3A_53 = vector.load %arg3[%get3A_51, %get3A_52] : memref<32x1024xi32, #tpu.memory_space<vmem>>, vector<32x1024xi32>
    %select_n3A = arith.select %eq3A_48, %broadcast_in_dim3A_50, %get3A_53 : vector<32x1024xi32>
    %eq3A_54 = vector.broadcast %arg0 : i32 to vector<32x1024xi32>
    %eq3A_55 = arith.cmpi eq, %iota3A, %eq3A_54 : vector<32x1024xi32>
    %select_n3A_56 = arith.select %eq3A_55, %broadcast_in_dim3A_46, %select_n3A : vector<32x1024xi1>, vector<32x1024xi32>
    %swap3A = arith.constant 0 : index
    %swap3A_57 = arith.constant 0 : index
    %swap3A_58 = vector.load %arg3[%swap3A, %swap3A_57] : memref<32x1024xi32, #tpu.memory_space<vmem>>, vector<32x1024xi32>
    tpu.vector_store %arg3[%swap3A, %swap3A_57], %select_n3A_56 {strides = array<i32>} : memref<32x1024xi32, #tpu.memory_space<vmem>>, vector<32x1024xi32>,
    %reshape3A_59 = vector.shape_cast %convert_element_type3A_44 : vector<1024xi32> to vector<8x128xi32>
    %swap3A_60 = arith.constant 0 : index
    %swap3A_61 = arith.constant 0 : index
    %swap3A_62 = vector.load %arg4[%swap3A_60, %swap3A_61] : memref<8x128xi32, #tpu.memory_space<vmem>>, vector<8x128xi32>
    tpu.vector_store %arg4[%swap3A_60, %swap3A_61], %reshape3A_59 {strides = array<i32>} : memref<8x128xi32, #tpu.memory_space<vmem>>, vector<8x128xi32>,
    %reduce_sum3A_63 = arith.constant dense<0.000000e+00> : vector<1024xf32>
    %reduce_sum3A_64 = vector.multi_reduction <add>, %convert_element_type3A_26, %reduce_sum3A_63 [1] : vector<1024x1024xf32> to vector<1024xf32>
    %broadcast_in_dim3A_65 = vector.shape_cast %reduce_sum3A_64 : vector<1024xf32> to vector<1024x1xf32>
    %eq3A_66 = arith.constant 0 : i32
    %eq3A_67 = arith.cmpi eq, %arg0, %eq3A_66 : i32
    %convert_element_type3A_68 = arith.extui %eq3A_67 : i1 to i32
    %cond3A_69 = arith.constant 0 : i32
    %cond3A_70 = arith.cmpi ne, %convert_element_type3A_68, %cond3A_69 : i32
    scf.if %cond3A_70 {
      %swap3A_84 = arith.constant 0 : index
      %swap3A_85 = arith.constant 0 : index
      %swap3A_86 = vector.load %arg8[%swap3A_84, %swap3A_85] : memref<1024x1xf32, #tpu.memory_space<vmem>>, vector<1024x1xf32>
      tpu.vector_store %arg8[%swap3A_84, %swap3A_85], %broadcast_in_dim3A_65 {strides = array<i32>} : memref<1024x1xf32, #tpu.memory_space<vmem>>, vector<1024x1xf32>,
    } else {
    }
    %gt3A_71 = arith.constant 0 : i32
    %gt3A_72 = arith.cmpi sgt, %arg0, %gt3A_71 : i32
    %convert_element_type3A_73 = arith.extui %gt3A_72 : i1 to i32
    %cond3A_74 = arith.constant 0 : i32
    %cond3A_75 = arith.cmpi ne, %convert_element_type3A_73, %cond3A_74 : i32
    scf.if %cond3A_75 {
      %get3A_84 = arith.constant 0 : index
      %get3A_85 = arith.constant 0 : index
      %get3A_86 = vector.load %arg8[%get3A_84, %get3A_85] : memref<1024x1xf32, #tpu.memory_space<vmem>>, vector<1024x1xf32>
      %add3A_87 = arith.addf %get3A_86, %broadcast_in_dim3A_65 : vector<1024x1xf32>
      %swap3A_88 = arith.constant 0 : index
      %swap3A_89 = arith.constant 0 : index
      %swap3A_90 = vector.load %arg8[%swap3A_88, %swap3A_89] : memref<1024x1xf32, #tpu.memory_space<vmem>>, vector<1024x1xf32>
      tpu.vector_store %arg8[%swap3A_88, %swap3A_89], %add3A_87 {strides = array<i32>} : memref<1024x1xf32, #tpu.memory_space<vmem>>, vector<1024x1xf32>,
    } else {
    }
    %convert_element_type3A_76 = arith.extui %gt3A_39 : i1 to i32
    %cond3A_77 = arith.constant 0 : i32
    %cond3A_78 = arith.cmpi ne, %convert_element_type3A_76, %cond3A_77 : i32
    scf.if %cond3A_78 {
      %iota3A_84 = tpu.iota {dimensions = array<i32: 0>} : vector<1024x1024xi32>
      %eq3A_85 = vector.broadcast %broadcast_in_dim3A_22 : vector<1x1024xf32> to vector<1024x1024xf32>
      %eq3A_86 = arith.cmpf oeq, %add3A_20, %eq3A_85 : vector<1024x1024xf32>
      %jit3A = arith.constant 1024 : i32
      %broadcast_in_dim3A_87 = vector.broadcast %jit3A : i32 to vector<1024x1024xi32>
      %select_n3A_88 = arith.select %eq3A_86, %iota3A_84, %broadcast_in_dim3A_87 : vector<1024x1024xi1>, vector<1024x1024xi32>
      %reduce_min3A_89 = arith.constant dense<2147483647> : vector<1024xi32>
      %reduce_min3A_90 = vector.multi_reduction <minsi>, %select_n3A_88, %reduce_min3A_89 [0] : vector<1024x1024xi32> to vector<1024xi32>
      %broadcast_in_dim3A_91 = vector.shape_cast %reduce_min3A_90 : vector<1024xi32> to vector<1x1024xi32>
      %eq3A_92 = vector.broadcast %broadcast_in_dim3A_91 : vector<1x1024xi32> to vector<1024x1024xi32>
      %eq3A_93 = arith.cmpi eq, %iota3A_84, %eq3A_92 : vector<1024x1024xi32>
      %convert_element_type3A_94 = arith.extui %eq3A_93 : vector<1024x1024xi1> to vector<1024x1024xi32>
      %convert_element_type3A_95 = arith.sitofp %convert_element_type3A_94 : vector<1024x1024xi32> to vector<1024x1024xf32>
      %squeeze3A_96 = vector.shape_cast %broadcast_in_dim3A_91 : vector<1x1024xi32> to vector<1024xi32>
      %reshape3A_97 = vector.shape_cast %squeeze3A_96 : vector<1024xi32> to vector<1x1024xi32>
      %broadcast_in_dim3A_98 = vector.shape_cast %reshape3A_97 : vector<1x1024xi32> to vector<1x1024xi32>
      %broadcast_in_dim3A_99 = vector.broadcast %broadcast_in_dim3A_98 : vector<1x1024xi32> to vector<32x1024xi32>
      %iota3A_100 = tpu.iota {dimensions = array<i32: 0>} : vector<32x1024xi32>
      %eq3A_101 = arith.constant 0 : i32
      %eq3A_102 = arith.cmpi eq, %arg0, %eq3A_101 : i32
      %broadcast_in_dim3A_103 = arith.constant 0 : i32
      %broadcast_in_dim3A_104 = vector.broadcast %broadcast_in_dim3A_103 : i32 to vector<32x1024xi32>
      %get3A_105 = arith.constant 0 : index
      %get3A_106 = arith.constant 0 : index
      %get3A_107 = vector.load %arg3[%get3A_105, %get3A_106] : memref<32x1024xi32, #tpu.memory_space<vmem>>, vector<32x1024xi32>
      %select_n3A_108 = arith.select %eq3A_102, %broadcast_in_dim3A_104, %get3A_107 : vector<32x1024xi32>
      %eq3A_109 = vector.broadcast %arg0 : i32 to vector<32x1024xi32>
      %eq3A_110 = arith.cmpi eq, %iota3A_100, %eq3A_109 : vector<32x1024xi32>
      %select_n3A_111 = arith.select %eq3A_110, %broadcast_in_dim3A_99, %select_n3A_108 : vector<32x1024xi1>, vector<32x1024xi32>
      %swap3A_112 = arith.constant 0 : index
      %swap3A_113 = arith.constant 0 : index
      %swap3A_114 = vector.load %arg3[%swap3A_112, %swap3A_113] : memref<32x1024xi32, #tpu.memory_space<vmem>>, vector<32x1024xi32>
      tpu.vector_store %arg3[%swap3A_112, %swap3A_113], %select_n3A_111 {strides = array<i32>} : memref<32x1024xi32, #tpu.memory_space<vmem>>, vector<32x1024xi32>,
      %reshape3A_115 = vector.shape_cast %squeeze3A_96 : vector<1024xi32> to vector<8x128xi32>
      %swap3A_116 = arith.constant 0 : index
      %swap3A_117 = arith.constant 0 : index
      %swap3A_118 = vector.load %arg4[%swap3A_116, %swap3A_117] : memref<8x128xi32, #tpu.memory_space<vmem>>, vector<8x128xi32>
      tpu.vector_store %arg4[%swap3A_116, %swap3A_117], %reshape3A_115 {strides = array<i32>} : memref<8x128xi32, #tpu.memory_space<vmem>>, vector<8x128xi32>,
      %get3A_119 = arith.constant 0 : index
      %get3A_120 = arith.constant 0 : index
      %get3A_121 = vector.load %arg8[%get3A_119, %get3A_120] : memref<1024x1xf32, #tpu.memory_space<vmem>>, vector<1024x1xf32>
      %reduce_sum3A_122 = arith.constant dense<0.000000e+00> : vector<1024xf32>
      %reduce_sum3A_123 = vector.multi_reduction <add>, %convert_element_type3A_95, %reduce_sum3A_122 [1] : vector<1024x1024xf32> to vector<1024xf32>
      %broadcast_in_dim3A_124 = vector.shape_cast %reduce_sum3A_123 : vector<1024xf32> to vector<1024x1xf32>
      %sub3A_125 = arith.subf %broadcast_in_dim3A_124, %broadcast_in_dim3A_65 : vector<1024x1xf32>
      %add3A_126 = arith.addf %get3A_121, %sub3A_125 : vector<1024x1xf32>
      %swap3A_127 = arith.constant 0 : index
      %swap3A_128 = arith.constant 0 : index
      %swap3A_129 = vector.load %arg8[%swap3A_127, %swap3A_128] : memref<1024x1xf32, #tpu.memory_space<vmem>>, vector<1024x1xf32>
      tpu.vector_store %arg8[%swap3A_127, %swap3A_128], %add3A_126 {strides = array<i32>} : memref<1024x1xf32, #tpu.memory_space<vmem>>, vector<1024x1xf32>,
    } else {
    }
    %eq3A_79 = arith.constant 31 : i32
    %eq3A_80 = arith.cmpi eq, %arg0, %eq3A_79 : i32
    %convert_element_type3A_81 = arith.extui %eq3A_80 : i1 to i32
    %cond3A_82 = arith.constant 0 : i32
    %cond3A_83 = arith.cmpi ne, %convert_element_type3A_81, %cond3A_82 : i32
    scf.if %cond3A_83 {
      %get3A_84 = arith.constant 0 : index
      %get3A_85 = arith.constant 0 : index
      %get3A_86 = vector.load %arg8[%get3A_84, %get3A_85] : memref<1024x1xf32, #tpu.memory_space<vmem>>, vector<1024x1xf32>
      %mul3A_87 = arith.constant 3.05175781E-5 : f32
      %mul3A_88 = vector.broadcast %mul3A_87 : f32 to vector<1024x1xf32>
      %mul3A_89 = arith.mulf %get3A_86, %mul3A_88 : vector<1024x1xf32>
      %add3A_90 = arith.constant 1.000000e-10 : f32
      %add3A_91 = vector.broadcast %add3A_90 : f32 to vector<1024x1xf32>
      %add3A_92 = arith.addf %mul3A_89, %add3A_91 : vector<1024x1xf32>
      %log3A = math.log %add3A_92 : vector<1024x1xf32>
      %mul3A_93 = arith.mulf %mul3A_89, %log3A : vector<1024x1xf32>
      %reduce_sum3A_94 = vector.shape_cast %mul3A_93 : vector<1024x1xf32> to vector<1x1024x1xf32>
      %reduce_sum3A_95 = arith.constant dense<0.000000e+00> : vector<1xf32>
      %reduce_sum3A_96 = vector.multi_reduction <add>, %reduce_sum3A_94, %reduce_sum3A_95 [1, 2] : vector<1x1024x1xf32> to vector<1xf32>
      %reduce_sum3A_97 = vector.shape_cast %reduce_sum3A_96 : vector<1xf32> to vector<1x1x1xf32>
      %reduce_sum3A_98 = vector.extract %reduce_sum3A_97[0, 0, 0] : f32 from vector<1x1x1xf32>
      %neg3A = arith.constant 0.000000e+00 : f32
      %neg3A_99 = arith.subf %neg3A, %reduce_sum3A_98 : f32
      %exp3A = math.exp %neg3A_99 : f32
      %swap3A_100 = arith.constant 0 : index
      %swap3A_101 = arith.constant 0 : index
      %swap3A_102 = memref.load %arg6[%swap3A_100, %swap3A_101] : memref<1x1xf32, #tpu.memory_space<smem>>
      memref.store %exp3A, %arg6[%swap3A_100, %swap3A_101] : memref<1x1xf32, #tpu.memory_space<smem>>
    } else {
    }
    return
  }
  func.func @transform_0(%arg0: i32) -> (i32, i32, i32) {
    %c0_i32 = arith.constant 0 : i32
    %c0_i32_0 = arith.constant 0 : i32
    %c0_i32_1 = arith.constant 0 : i32
    return %arg0, %c0_i32, %c0_i32_0 : i32, i32, i32
  }
  func.func @transform_1(%arg0: i32) -> (i32, i32) {
    %c0_i32 = arith.constant 0 : i32
    %c0_i32_0 = arith.constant 0 : i32
    %c0_i32_1 = arith.constant 0 : i32
    return %c0_i32, %c0_i32_0 : i32, i32
  }
  func.func @transform_2(%arg0: i32) -> (i32, i32) {
    %c0_i32 = arith.constant 0 : i32
    %c0_i32_0 = arith.constant 0 : i32
    %c0_i32_1 = arith.constant 0 : i32
    return %c0_i32, %c0_i32_0 : i32, i32
  }
  func.func @transform_3(%arg0: i32) -> (i32, i32) {
    %c0_i32 = arith.constant 0 : i32
    %c0_i32_0 = arith.constant 0 : i32
    return %arg0, %c0_i32 : i32, i32
  }
  func.func @transform_4(%arg0: i32) -> (i32, i32) {
    %c0_i32 = arith.constant 0 : i32
    %c0_i32_0 = arith.constant 0 : i32
    %c0_i32_1 = arith.constant 0 : i32
    return %c0_i32, %c0_i32_0 : i32, i32
  }
  func.func @transform_5(%arg0: i32) -> (i32, i32) {
    %c0_i32 = arith.constant 0 : i32
    %c0_i32_0 = arith.constant 0 : i32
    %c0_i32_1 = arith.constant 0 : i32
    return %c0_i32, %c0_i32_0 : i32, i32
  }
}

</mosaic_0001>

<sc_bundles>
// kernel: kernel.4.cloned.1.call-start
scs
__scs_entry_jumppad:
0x0: {  	(pc) =	sbr.rel $0x88, $3  }
0x1: {  	(tag) =	ssettag $0x0;
	lr =	simm.s32 $0x1  }
0x2: {  	[smem:$0x3F9F] =	sst lr;
	_ =	strace $0xD0000000  }
0x3: {  	_ = 	snop  }
0x4: {  	_ = 	snop  }
0x5: {  	_ = 	snop  }
0x6: {  	_ = 	snop  }
0x7: {  	_ = 	snop  }
__scs_overlays_trampoline_lowered:
0x8: {  	[smem:$0x3FAE] =	sst s0  }
0x9: {  	[smem:$0x3FAF] =	sst s1  }
0xa: {  	[smem:$0x3FB0] =	sst s2  }
0xb: {  	[smem:$0x3FB1] =	sst s3  }
0xc: {  	[smem:$0x3FB2] =	sst s4  }
0xd: {  	[smem:$0x3FB3] =	sst s5  }
0xe: {  	[smem:$0x3FB4] =	sst s6  }
0xf: {  	[smem:$0x3FB5] =	sst s7  }
0x10: {  	[smem:$0x3FB6] =	sst s8  }
0x11: {  	[smem:$0x3FB7] =	sst s9;
	s0 =	simm.s32 @!p0 $0x0  }
0x12: {  	s1 =	sld [smem:$0x3F9D];
	s0 =	simm.s32 @p0 $0x1  }
0x13: {  	[smem:$0x3FB8] =	sst s0;
	s0 =	simm.s32 @!p1 $0x0  }
0x14: {  	s2 =	sld [smem:$0x3F9C];
	s0 =	simm.s32 @p1 $0x1  }
0x15: {  	[smem:$0x3FB9] =	sst s0;
	s0 =	simm.s32 @!p2 $0x0  }
0x16: {  	s3 =	sld [smem:$0x3FDB];
	s0 =	simm.s32 @p2 $0x1  }
0x17: {  	s4 =	simm.s32 $0x1BF5;
	[smem:$0x3FBB] =	sst s0  }
0x18: {  	s0 =	sld [smem:$0x3F9E];
	_ =	swait.ge [sflag:s4], $0x0  }
0x19: {  	s7 =	sld [smem:$0x3F9F]  }
0x1a: {  	s8 =	sadd.s32 $0xFFFFE003, lr  }
0x1b: {  	s9 =	sadd.s32 $0xFFFFFEF7, lr;
	s5 =	simm.s32 $0xFFFFFFFF;
	p2 =	slt.u32 s8, $0xFFFFF086  }
0x1c: {  	p1 =	slt.u32 s9, $0xF7A;
	s5 =	simm.s32 @!p2 $0x0  }
0x1d: {  	s5 =	simm.s32 @p1 $0x1;
	p0 =	seq.s32 s7, s2  }
0x1e: {  	s7 =	smul.u32 @!p0 $0xF7A, s2;
	p2 =	seq.s32 @!p0 s5, $0x0  }
0x1f: {  	s9 =	smul.u32 $0xF7A, s1;
	s8 =	simm.s32 @!p0 $0x1BF5;
	p2 =	por !p2, p0  }
0x20: {  	[sflag:s8] =	ssyncset.s32 @!p0 $0xFFFFF086;
	s6 =	sadd.s32 @!p0 s3, s7;
	s7 =	simm.s32 @!p0 $0x108  }
0x21: {  	s3 =	sadd.s32 s3, s9;
	s6 =	sadd.s32 @!p0 $0x88, s6;
	s7 =	simm.s32 @p2 $0x1082  }
0x22: {  	[simem:s7], [sflag:s8] =	dma.local @!p0 [hbm:s6], $0xF7A  }
0x23: {  	s9 =	sor.u32 $0xD0000000, s2;
	s6 =	simm.s32 $0x108;
	_ =	swait.ge @!p0 [sflag:s8], $0x0  }
0x24: {  	s3 =	sadd.s32 $0x88, s3;
	s6 =	simm.s32 @!p1 $0x1082;
	[sflag:s4] =	ssyncset.s32 $0xFFFFF086  }
0x25: {  	[simem:s6], [sflag:s4] =	dma.local [hbm:s3], $0xF7A  }
0x26: {  	[smem:$0x3F9F] =	sst s1;
	(tag) =	ssettag s2;
	_ =	strace s9  }
0x27: {  	s1 =	sld [smem:$0x3FAF]  }
0x28: {  	s2 =	sld [smem:$0x3FB0]  }
0x29: {  	s4 =	sld [smem:$0x3FB2]  }
0x2a: {  	p0 =	seq.s32 s5, $0x0;
	s5 =	sld [smem:$0x3FB3]  }
0x2b: {  	s6 =	sld [smem:$0x3FB4]  }
0x2c: {  	s7 =	sld [smem:$0x3FB5]  }
0x2d: {  	s3 =	simm.s32 $0x108;
	s8 =	sld [smem:$0x3FB6]  }
0x2e: {  	s3 =	simm.s32 @!p0 $0x1082;
	s9 =	sld [smem:$0x3FB7]  }
0x2f: {  	lr =	sadd.s32 s0, s3;
	s0 =	sld [smem:$0x3FAE]  }
0x30: {  	s3 =	sld [smem:$0x3FB1]  }
0x31: {  	[smem:$0x3FBA] =	sst s10  }
0x32: {  	s10 =	sld [smem:$0x3FB8];
	_ =	sdelay $0x3  }
0x33: {  	p0 =	seq.s32 s10, $0x1;
	s10 =	sld [smem:$0x3FBA];
	_ =	sdelay $0x3  }
0x34: {  	[smem:$0x3FBA] =	sst s10  }
0x35: {  	s10 =	sld [smem:$0x3FB9];
	_ =	sdelay $0x3  }
0x36: {  	p1 =	seq.s32 s10, $0x1;
	s10 =	sld [smem:$0x3FBA];
	_ =	sdelay $0x3  }
0x37: {  	[smem:$0x3FBA] =	sst s10  }
0x38: {  	s10 =	sld [smem:$0x3FBB]  }
0x39: {  	_ = 	snop;
	(pc) =	sbr.ind lr, $3  }
0x3a: {  	_ = 	snop  }
0x3b: {  	_ = 	snop  }
0x3c: {  	p2 =	seq.s32 s10, $0x1;
	s10 =	sld [smem:$0x3FBA]  }
0x3d: {  	_ =	shalt  }
0x3e: {  	_ =	shalt  }
0x3f: {  	_ =	shalt  }
0x40: {  	_ =	shalt  }
0x41: {  	_ =	shalt  }
0x42: {  	_ =	shalt  }
0x43: {  	_ =	shalt  }
0x44: {  	_ =	shalt  }
0x45: {  	_ =	shalt  }
0x46: {  	_ =	shalt  }
0x47: {  	_ =	shalt  }
0x48: {  	_ =	shalt  }
0x49: {  	_ =	shalt  }
0x4a: {  	_ =	shalt  }
0x4b: {  	_ =	shalt  }
0x4c: {  	_ =	shalt  }
0x4d: {  	_ =	shalt  }
0x4e: {  	_ =	shalt  }
0x4f: {  	_ =	shalt  }
0x50: {  	_ =	shalt  }
0x51: {  	_ =	shalt  }
0x52: {  	_ =	shalt  }
0x53: {  	_ =	shalt  }
0x54: {  	_ =	shalt  }
0x55: {  	_ =	shalt  }
0x56: {  	_ =	shalt  }
0x57: {  	_ =	shalt  }
0x58: {  	_ =	shalt  }
0x59: {  	_ =	shalt  }
0x5a: {  	_ =	shalt  }
0x5b: {  	_ =	shalt  }
0x5c: {  	_ =	shalt  }
0x5d: {  	_ =	shalt  }
0x5e: {  	_ =	shalt  }
0x5f: {  	_ =	shalt  }
0x60: {  	_ =	shalt  }
0x61: {  	_ =	shalt  }
0x62: {  	_ =	shalt  }
0x63: {  	_ =	shalt  }
0x64: {  	_ =	shalt  }
0x65: {  	_ =	shalt  }
0x66: {  	_ =	shalt  }
0x67: {  	_ =	shalt  }
0x68: {  	_ =	shalt  }
0x69: {  	_ =	shalt  }
0x6a: {  	_ =	shalt  }
0x6b: {  	_ =	shalt  }
0x6c: {  	_ =	shalt  }
0x6d: {  	_ =	shalt  }
0x6e: {  	_ =	shalt  }
0x6f: {  	_ =	shalt  }
0x70: {  	_ =	shalt  }
0x71: {  	_ =	shalt  }
0x72: {  	_ =	shalt  }
0x73: {  	_ =	shalt  }
0x74: {  	_ =	shalt  }
0x75: {  	_ =	shalt  }
0x76: {  	_ =	shalt  }
0x77: {  	_ =	shalt  }
0x78: {  	_ =	shalt  }
0x79: {  	_ =	shalt  }
0x7a: {  	_ =	shalt  }
0x7b: {  	_ =	shalt  }
0x7c: {  	_ =	shalt  }
0x7d: {  	_ =	shalt  }
0x7e: {  	_ =	shalt  }
0x7f: {  	_ =	shalt  }
0x80: {  	_ =	shalt  }
0x81: {  	_ =	shalt  }
0x82: {  	_ =	shalt  }
0x83: {  	_ =	shalt  }
0x84: {  	_ =	shalt  }
0x85: {  	_ =	shalt  }
0x86: {  	_ =	shalt  }
0x87: {  	_ =	shalt  }
.Lfunc_end0:
.L_simem_size_0:
called_computation_lowered:
.L_overlay_start_0:
0x88: {  	s2 =	sld [smem:$0x3FD9]  }
0x89: {  	s3 =	sld [smem:$0x3FFE];
	_ =	sdelay $0x1  }
0x8a: {  	s1 =	srdreg.scid  }
0x8b: {  	s0 =	sand.u32 $0x1, s1  }
0x8c: {  	s14 =	sshll.u32 s0, $0xA;
	s2 =	sadd.s32 s3, s2  }
0x8d: {  	s2 =	sadd.s32 s2, s14  }
0x8e: {  	[smem:$0x3FC6] =	sst s2  }
0x8f: {  	_ = 	snop  }
0x90: {  	s2 =	sld [smem:$0x3FD0];
	_ =	sdelay $0x2  }
0x91: {  	s15 =	simm.s32 $0xA;
	s4 =	simm.s32 $0x10  }
0x92: {  	[smem:s4], [sflag:s15] =	dma.local [hbm:s2], $0x1  }
0x93: {  	_ =	swait.eq [sflag:s15], $0x1  }
0x94: {  	[sflag:s15] =	ssyncset.done $0x0  }
0x95: {  	[sflag:s15] =	ssyncadd.s32 $0xFFFFFFFF  }
0x96: {  	s16 =	sld [smem:$0x10];
	(tm) =	ssettm $0x1  }
0x97: {  	s17 =	sld [smem:$0x3FFB];
	_ =	sdelay $0x3  }
0x98: {  	_ =	strace s17  }
0x99: {  	s3 =	sld [smem:$0x3FFC];
	_ =	sdelay $0x3  }
0x9a: {  	_ =	strace s3  }
0x9b: {  	s3 =	sld [smem:$0x3FFD];
	_ =	sdelay $0x3  }
0x9c: {  	_ =	strace s3  }
0x9d: {  	_ =	strace $0x8FFFFFFF  }
0x9e: {  	s18 =	sld [smem:$0x3FDB];
	_ =	sdelay $0x1  }
0x9f: {  	s19 =	simm.s32 $_scs_section_size  }
0xa0: {  	s5 =	simm.s32 $_size__tile_overlayer_lowered;
	s6 =	simm.s32 $_tile_overlayer_lowered  }
0xa1: {  	s22 =	simm.s32 $0x1BFF;
	s21 =	sshll.u32 s6, $0x1;
	s3 =	sadd.s32 s19, s18  }
0xa2: {  	s7 =	simm.s32 $0x0;
	s20 =	sshll.u32 s5, $0x1;
	s5 =	sadd.s32 s21, s3  }
0xa3: {  	[timem:s7], [sflag:s22] =	dma.local [hbm:s5], s20  }
0xa4: {  	_ =	swait.ge [sflag:s22], s20  }
0xa5: {  	s4 =	ssub.s32 $0x0, s20;
	[sflag:s22] =	ssyncset.done $0x0  }
0xa6: {  	[sflag:s22] =	ssyncadd.s32 s4;
	_ =	sdelay $0x1  }
0xa7: {  	s23 =	simm.s32 $0x1B8B  }
0xa8: {  	_ =	swait.ge [sflag:s23], $0x1  }
0xa9: {  	[sflag:s23] =	ssyncset.done $0x0  }
0xaa: {  	s25 =	simm.s32 $0x1B8E;
	s24 =	sld [smem:$0x3FFE];
	[sflag:s23] =	ssyncadd.s32 $0xFFFFFFFF  }
0xab: {  	s26 =	simm.s32 $execute0_lowered;
	[smem:$0x3FD2] =	sst s25  }
0xac: {  	s5 =	sshll.u32 s26, $0x1;
	_ =	strace $0x80000046;
	[dreg:$0x1] =	wrdreg $0xFFFFFFFF  }
0xad: {  	s28 =	simm.s32 $_size_execute0_lowered;
	s3 =	sadd.s32 s3, s5;
	[dreg:$0x0] =	wrdreg $0x0  }
0xae: {  	s5 =	sshll.u32 s28, $0x1;
	[dreg:$0x2] =	wrdreg s3  }
0xaf: {  	[dreg:$0x3] =	wrdreg s5  }
0xb0: {  	[dreg:$0x4] =	wrdreg $0xC0  }
0xb1: {  	_ =	task [dreg:s7], $0x5FFFF  }
0xb2: {  	[dreg:$0x1] =	wrdreg $0xFFFFFFFF  }
0xb3: {  	[dreg:$0x0] =	wrdreg $0x60  }
0xb4: {  	[dreg:$0x2] =	wrdreg s16  }
0xb5: {  	[dreg:$0x3] =	wrdreg s24  }
0xb6: {  	[dreg:$0x4] =	wrdreg $0x9  }
0xb7: {  	_ =	task.clear_ibuf [dreg:s7], $0x5FFFF;
	_ =	strace $0x90000046  }
0xb8: {  	s29 =	simm.s32 $0x9;
	_ =	strace $0x80000048  }
0xb9: {  	_ =	swait.ge [sflag:s29], $0x1  }
0xba: {  	[sflag:s29] =	ssyncadd.s32 $0xFFFFFFFF  }
0xbb: {  	_ =	strace $0x90000048  }
0xbc: {  	_ =	sfence  }
0xbd: {  	s30 =	sld [smem:$0x0];
	_ =	sdelay $0x2  }
0xbe: {  	s31 =	sshll.u32 s1, $0xD;
	s1 =	sshrl.u32 s1, $0x2  }
0xbf: {  	s3 =	sand.u32 $0x4000, s31;
	s1 =	sadd.s32 s1, s30  }
0xc0: {  	s0 =	sor.u32 s3, s0;
	s1 =	sshll.u32 s1, $0x11  }
0xc1: {  	s0 =	sor.u32 s1, s0  }
0xc2: {  	s0 =	sadd.s32 $0x8F2B, s0  }
0xc3: {  	[sflag:s0] =	ssyncadd.remote.s32 $0x1  }
0xc4: {  	_ =	sfence.sel $0xFFFF  }
0xc5: {  	[dreg:$0x0] =	wrdreg $0xFFFFFFFF;
	(pc) =	sbr.abs _section_cstart, $3  }
0xc6: {  	[dreg:$0x1] =	wrdreg $0xFFFFFFFF  }
0xc7: {  	_ =	task.clear_ibuf [dreg:s7], $0x2FFFF;
	_ =	strace $0x9FFFFFFF  }
0xc8: {  	(tm) =	ssettm $0x7FFFFFFF  }
0xc9: {  	_ =	shalt  }
tec
execute0_lowered:
.L_overlay_start_1:
0x0: {  	(tag) =	ssettag $0x1  }
0x1: {  	s1 =	srdreg.scid  }
0x2: {  	s0 =	stileid.u32;
	s10 =	sand.u32 $0x1, s1  }
0x3: {  	s2 =	rddreg [dreg:$0x0];
	s30 =	sshll.u32 s0, $0xB;
	s3 =	sshll.u32 s10, $0xA  }
0x4: {  	s9 =	rddreg [dreg:$0x1];
	s11 =	sor.u32 s3, s30  }
0x5: {  	s1 =	rddreg [dreg:$0x2];
	s3 =	simm.s32 $0x0;
	s4 =	sshrl.u32 s11, $0x3  }
0x6: {  	[smem:$0x7FF] =	sst s3;
	s4 =	sadd.s32 s4, s9  }
0x7: {  	_ =	strace $0x80000047;
	s5 =	sadd.s32 $0xE00, s4;
	s4 =	simm.s32 $0x2  }
0x8: {  	[tilespmem:s3], [sflag:$0x2] =	stream.linear.gather [hbm4b:s5+s3], $0x400, $0x38;
	[tilespmem:$0x10400] =	vst v63  }
0x9: {  	_ =	swait.ge [sflag:s4], $0x400  }
0xa: {  	s6 =	simm.s32 $0x200;
	[sflag:s4] =	ssyncset.done $0x0  }
0xb: {  	s7 =	simm.s32 $0x400;
	s8 =	simm.s32 $0x1;
	[sflag:s4] =	ssyncadd.s32 $0xFFFFFC00  }
0xc: {  	[tilespmem:s7], [sflag:$0x1] =	stream.indirect.gather [hbm4b:s2+s6], $0x80, s3, s6, $0xb8;
	[tilespmem:$0x10400] =	vst v63  }
0xd: {  	s11 =	sshll.u32 s11, $0x4;
	_ =	swait.ge [sflag:s8], $0x10000  }
0xe: {  	s11 =	sadd.s32 s11, s9;
	[sflag:s8] =	ssyncset.done $0x0  }
0xf: {  	s10 =	ssub.s32 $0x2, s10;
	s9 =	sadd.s32 $0x1E00, s11;
	[sflag:s8] =	ssyncadd.s32 $0xFFFF0000  }
0x10: {  	[hbm4b:s9+s3] =	stream.linear.scatter [tilespmem:s7], [sflag:$0x2], $0x10000, $0x38;
	[tilespmem:$0x10400] =	vst v63  }
0x11: {  	s12 =	sshrl.u32 s10, $0x1;
	_ =	swait.ge [sflag:s4], $0x10000  }
0x12: {  	s12 =	ssub.s32 s10, s12;
	[sflag:s4] =	ssyncset.done $0x0  }
0x13: {  	s31 =	smax.u32 s12, $0x1;
	[sflag:s4] =	ssyncadd.s32 $0xFFFF0000  }
0x14: {  	[tilespmem:s7], [sflag:$0x1] =	stream.indirect.gather [hbm4b:s2+s6], $0x80, s6, s6, $0xb8;
	[tilespmem:$0x10400] =	vst v63  }
0x15: {  	p0 =	sne.s32 s31, $0x1;
	_ =	swait.ge [sflag:s8], $0x10000  }
.Ltmp0:
0x16: {  	[sflag:s8] =	ssyncset.done $0x0;
	(pc) =	sbr.rel @!p0 .LBB2_2-.Ltmp0, $4  }
0x17: {  	s10 =	sadd.s32 $0x3E00, s11;
	[sflag:s8] =	ssyncadd.s32 $0xFFFF0000  }
0x18: {  	[hbm4b:s10+s3] =	stream.linear.scatter [tilespmem:s7], [sflag:$0x2], $0x10000, $0x38;
	[tilespmem:$0x10400] =	vst v63  }
0x19: {  	_ =	swait.ge [sflag:s4], $0x10000  }
0x1a: {  	s11 =	sadd.s32 $0xFFFFFFFF, s31;
	[sflag:s4] =	ssyncset.done $0x0  }
.LBB2_1:
0x1b: {  	p0 =	sne.s32 s11, $0x1;
	s11 =	sadd.s32 $0xFFFFFFFF, s11;
	[sflag:s4] =	ssyncadd.s32 $0xFFFF0000  }
0x1c: {  	[tilespmem:s3], [sflag:$0x2] =	stream.linear.gather [hbm4b:s5+s3], $0x400, $0x38;
	[tilespmem:$0x10400] =	vst v63  }
0x1d: {  	_ =	swait.ge [sflag:s4], $0x400  }
0x1e: {  	[sflag:s4] =	ssyncset.done $0x0  }
0x1f: {  	[sflag:s4] =	ssyncadd.s32 $0xFFFFFC00  }
0x20: {  	[tilespmem:s7], [sflag:$0x1] =	stream.indirect.gather [hbm4b:s2+s6], $0x80, s3, s6, $0xb8;
	[tilespmem:$0x10400] =	vst v63  }
0x21: {  	_ =	swait.ge [sflag:s8], $0x10000  }
0x22: {  	[sflag:s8] =	ssyncset.done $0x0  }
0x23: {  	[sflag:s8] =	ssyncadd.s32 $0xFFFF0000  }
0x24: {  	[hbm4b:s9+s3] =	stream.linear.scatter [tilespmem:s7], [sflag:$0x2], $0x10000, $0x38;
	[tilespmem:$0x10400] =	vst v63  }
0x25: {  	_ =	swait.ge [sflag:s4], $0x10000  }
0x26: {  	[sflag:s4] =	ssyncset.done $0x0  }
0x27: {  	[sflag:s4] =	ssyncadd.s32 $0xFFFF0000  }
0x28: {  	[tilespmem:s7], [sflag:$0x1] =	stream.indirect.gather [hbm4b:s2+s6], $0x80, s6, s6, $0xb8;
	[tilespmem:$0x10400] =	vst v63  }
0x29: {  	_ =	swait.ge [sflag:s8], $0x10000  }
.Ltmp1:
0x2a: {  	[sflag:s8] =	ssyncset.done $0x0;
	(pc) =	sbr.rel @p0 .LBB2_1-.Ltmp1, $4  }
0x2b: {  	[sflag:s8] =	ssyncadd.s32 $0xFFFF0000  }
0x2c: {  	[hbm4b:s10+s3] =	stream.linear.scatter [tilespmem:s7], [sflag:$0x2], $0x10000, $0x38;
	[tilespmem:$0x10400] =	vst v63  }
0x2d: {  	_ =	swait.ge [sflag:s4], $0x10000  }
0x2e: {  	[sflag:s4] =	ssyncset.done $0x0  }
.LBB2_2:
0x2f: {  	[sflag:s4] =	ssyncadd.s32 $0xFFFF0000  }
0x30: {  	_ =	sfence.sel $0x180000  }
0x31: {  	[bflag:$0x0] =	sbarrier.arrive $0xFFFF  }
0x32: {  	p0 =	sne.s32 s0, $0x0;
	_ =	strace $0x90000047  }
0x33: {  	s0 =	sadd.s32 @!p0 $0x100000, s1;
	[bflag:$0x2] =	sbarrier.arrive $0xFFFF  }
0x34: {  	[sflag:s0] =	ssyncadd.tile.s32 @!p0 $0x1;
	_ =	shalt  }
.Lfunc_end2:
_tile_overlayer_lowered:
.L_overlay_start_2:
0x35: {  	(tag) =	ssettag $0x2  }
0x36: {  	s0 =	rddreg [dreg:$0x0];
	s2 =	stileid.u32  }
0x37: {  	s1 =	rddreg [dreg:$0x1];
	p0 =	sne.s32 s2, $0x0  }
0x38: {  	s3 =	rddreg [dreg:$0x2];
	[bflag:$0x3] =	sbarrier.arrive $0xFFFF;
	s2 =	simm.s32 @!p0 $0x1C02  }
0x39: {  	[timem:s3], [sflag:s2] =	dma.local @!p0 [hbm:s0], s1  }
0x3a: {  	s0 =	simm.s32 @!p0 $0x2  }
0x3b: {  	_ =	swait.ge @!p0 [sflag:s0], s1  }
0x3c: {  	s1 =	ssub.s32 @!p0 $0x0, s1;
	[sflag:s0] =	ssyncset.done @!p0 $0x0  }
0x3d: {  	[sflag:s0] =	ssyncadd.s32 @!p0 s1  }
0x3e: {  	[bflag:$0x3] =	sbarrier.arrive $0xFFFF  }
0x3f: {  	_ =	shalt  }

</sc_bundles>
